<compile_context>
chip_gen: v7x
topology: tpu7x:2x2x1
jax: 0.10.2.dev20260603
libtpu: 0.0.44.dev20260713+nightly
codegen_flags: <defaults>
</compile_context>

<pallas_src>
import functools

import jax
import jax.numpy as jnp
from jax import lax
from jax.experimental import pallas as pl
from jax.experimental.pallas import tpu as pltpu
from jax.experimental.pallas import tpu_sc as plsc

B, N, M = 16, 65536, 4096
NC, NS, L = 2, 16, 16
NW = NC * NS
BH, BL = B // 8, 8
MH, ML = M // 128, 128
NH = N // 128
U = BH * MH
UW = BL * ML
PLANE = B * N
OPLANE = B * M


def _make_sc_gather():
    mesh = plsc.VectorSubcoreMesh(core_axis_name="c", subcore_axis_name="s")

    TW = 2 * UW
    Q = 2
    CW = TW // Q
    CE = 3 * CW
    UNROLL = 1

    @functools.partial(
        pl.kernel,
        mesh=mesh,
        compiler_params=pltpu.CompilerParams(
            use_tc_tiling_on_sc=False, needs_layout_passes=False),
        out_type=jax.ShapeDtypeStruct((3 * B * M,), jnp.float32),
        scratch_types=[
            pltpu.VMEM((TW,), jnp.int32),
            pltpu.VMEM((3 * TW,), jnp.int32),
            pltpu.VMEM((3 * TW,), jnp.float32),
        ] + [pltpu.SemaphoreType.DMA] * (2 * Q),
    )
    def sc_gather(xyz_hbm, idx_hbm, out_hbm, idx_v, ent_v, words_v, *sems):
        wid = lax.axis_index("s") * NC + lax.axis_index("c")
        sem_i, sem_g = sems[:Q], sems[Q:]
        u0 = wid * 2
        b_hi = u0 // MH
        a0 = b_hi * (BL * N)
        obase = b_hi * (BL * M) + (u0 % MH) * UW

        cp_i = [
            pltpu.async_copy(
                idx_hbm.at[pl.ds(u0 * UW + q * CW, CW)],
                idx_v.at[pl.ds(q * CW, CW)], sem_i[q])
            for q in range(Q)
        ]

        cp_g = []
        for q in range(Q):
            cp_i[q].wait()

            def build(s, carry, q=q):
                for t in range(UNROLL):
                    j = s * UNROLL + t
                    i = q * (CW // L) + j
                    g = idx_v[pl.ds(i * L, L)]
                    b_lo = lax.rem(i, UW // L) // (ML // L)
                    e0 = (a0 + b_lo * ML) + (
                        lax.shift_right_logical(g, 7) * (BL * ML) + (g & 127))
                    esl = q * CE + j * L
                    ent_v[pl.ds(esl, L)] = e0
                    ent_v[pl.ds(CW + esl, L)] = e0 + PLANE
                    ent_v[pl.ds(2 * CW + esl, L)] = e0 + 2 * PLANE
                return carry

            lax.fori_loop(0, CW // L // UNROLL, build, 0)
            cp_g.append(pltpu.async_copy(
                xyz_hbm.at[ent_v.at[pl.ds(q * CE, CE)]],
                words_v.at[pl.ds(q * CE, CE)], sem_g[q]))

        cp_o = []
        for q in range(Q):
            cp_g[q].wait()
            for c in range(3):
                cp_o.append(pltpu.async_copy(
                    words_v.at[pl.ds(q * CE + c * CW, CW)],
                    out_hbm.at[pl.ds(c * OPLANE + obase + q * CW, CW)],
                    sem_i[q]))
        for cp in cp_o:
            cp.wait()

    return sc_gather


_sc_gather = _make_sc_gather()


def kernel(batch_sample_xyz, input):
    xyz_flat = (
        batch_sample_xyz.transpose(2, 0, 1)
        .reshape(3, BH, BL, NH, 128)
        .transpose(0, 1, 3, 2, 4)
        .reshape(3 * B * N))
    idx_flat = (
        input.astype(jnp.int32)
        .reshape(BH, BL, MH, ML)
        .transpose(0, 2, 1, 3)
        .reshape(B * M))
    out1d = _sc_gather(xyz_flat, idx_flat)
    out = (
        out1d.reshape(3, BH, MH, BL, ML)
        .transpose(1, 3, 2, 4, 0)
        .reshape(B, M, 3))
    return out

# --- scband reference (transcript-rebuilt; emitter-appended) ---
"""Pipeline reference for scband-gather-the-point-46677704573555 (READ-ONLY COPY).

The authoritative reference and input builder live on the scoring server;
editing this copy changes nothing except your own understanding.
"""

import jax, jax.numpy as jnp
import numpy as np

def setup_inputs(seed: int = 0) -> dict:
    key = jax.random.key(seed)
    k1, k2 = jax.random.split(key)
    B, N, M = 16, 65536, 4096
    batch_sample_xyz = jax.random.normal(k1, (B, N, 3), dtype=jnp.float32)
    input_idx = jax.random.randint(k2, (B, M), 0, N).astype(jnp.int64)
    return {"batch_sample_xyz": batch_sample_xyz, "input": input_idx}

def reference(batch_sample_xyz, input):
    # tf.map_fn over batch: gather_nd(xyz_b, idx_b[:, None]) == per-batch row gather.
    # Equivalent vectorized form: take_along_axis over the point axis.
    idx = input[:, :, None]  # [B, M, 1]
    out = jnp.take_along_axis(batch_sample_xyz, idx, axis=1)  # [B, M, 3]
    return out

if __name__ == "__main__":
    import jax
    _d = setup_inputs()
    print(jax.jit(kernel)(*tuple(_d.values())))

</pallas_src>

<mosaic_0001>
#map = affine_map<(d0, d1) -> (0)>
module attributes {stable_mosaic.version = 14 : i64} {
  func.func @sc_gather(%arg0: i32, %arg1: i32, %arg2: memref<3145728xf32, #tpu.memory_space<hbm>>, %arg3: memref<65536xi32, #tpu.memory_space<hbm>>, %arg4: memref<196608xf32, #tpu.memory_space<hbm>>, %arg5: memref<2048xi32, #tpu.memory_space<vmem>>, %arg6: memref<6144xi32, #tpu.memory_space<vmem>>, %arg7: memref<6144xf32, #tpu.memory_space<vmem>>, %arg8: memref<!tpu.dma_semaphore, #tpu.memory_space<semaphore_mem>>, %arg9: memref<!tpu.dma_semaphore, #tpu.memory_space<semaphore_mem>>, %arg10: memref<!tpu.dma_semaphore, #tpu.memory_space<semaphore_mem>>, %arg11: memref<!tpu.dma_semaphore, #tpu.memory_space<semaphore_mem>>) attributes {dimension_semantics = [#tpu.dimension_semantics<core_parallel>, #tpu.dimension_semantics<subcore_parallel>], iteration_bounds = array<i64: 2, 16>, scalar_prefetch = 0 : i64, scratch_operands = 7 : i64, tpu.core_type = #tpu.core_type<sc_vector_subcore>, window_params = [{transform_indices = #map}, {transform_indices = #map}, {transform_indices = #map}]} {
    %mul3A = arith.constant 2 : i32
    %mul3A_0 = arith.muli %arg1, %mul3A : i32
    %add3A = arith.addi %mul3A_0, %arg0 : i32
    %mul3A_1 = arith.constant 2 : i32
    %mul3A_2 = arith.muli %add3A, %mul3A_1 : i32
    %jit3A = arith.constant 32 : i32
    %div3A = arith.divsi %mul3A_2, %jit3A : i32
    %sign3A = arith.constant 0 : i32
    %sign3A_3 = arith.cmpi sgt, %mul3A_2, %sign3A : i32
    %sign3A_4 = arith.extui %sign3A_3 : i1 to i32
    %sign3A_5 = arith.constant 0 : i32
    %sign3A_6 = arith.cmpi slt, %mul3A_2, %sign3A_5 : i32
    %sign3A_7 = arith.extui %sign3A_6 : i1 to i32
    %sign3A_8 = arith.subi %sign3A_4, %sign3A_7 : i32
    %sign3A_9 = arith.constant 0 : i32
    %sign3A_10 = arith.cmpi sgt, %jit3A, %sign3A_9 : i32
    %sign3A_11 = arith.extui %sign3A_10 : i1 to i32
    %sign3A_12 = arith.constant 0 : i32
    %sign3A_13 = arith.cmpi slt, %jit3A, %sign3A_12 : i32
    %sign3A_14 = arith.extui %sign3A_13 : i1 to i32
    %sign3A_15 = arith.subi %sign3A_11, %sign3A_14 : i32
    %ne3A = arith.cmpi ne, %sign3A_8, %sign3A_15 : i32
    %rem3A = arith.remsi %mul3A_2, %jit3A : i32
    %ne3A_16 = arith.constant 0 : i32
    %ne3A_17 = arith.cmpi ne, %rem3A, %ne3A_16 : i32
    %and3A = arith.andi %ne3A, %ne3A_17 : i1
    %sub3A = arith.constant 1 : i32
    %sub3A_18 = arith.subi %div3A, %sub3A : i32
    %select_n3A = arith.select %and3A, %sub3A_18, %div3A : i32
    %mul3A_19 = arith.constant 524288 : i32
    %mul3A_20 = arith.muli %select_n3A, %mul3A_19 : i32
    %mul3A_21 = arith.constant 32768 : i32
    %mul3A_22 = arith.muli %select_n3A, %mul3A_21 : i32
    %jit3A_23 = arith.constant 32 : i32
    %eq3A = arith.constant 0 : i32
    %eq3A_24 = arith.cmpi eq, %jit3A_23, %eq3A : i32
    %jit3A_25 = arith.constant 1 : i32
    %select_n3A_26 = arith.select %eq3A_24, %jit3A_25, %jit3A_23 : i32
    %rem3A_27 = arith.remsi %mul3A_2, %select_n3A_26 : i32
    %ne3A_28 = arith.constant 0 : i32
    %ne3A_29 = arith.cmpi ne, %rem3A_27, %ne3A_28 : i32
    %lt3A = arith.constant 0 : i32
    %lt3A_30 = arith.cmpi slt, %rem3A_27, %lt3A : i32
    %lt3A_31 = arith.constant 0 : i32
    %lt3A_32 = arith.cmpi slt, %select_n3A_26, %lt3A_31 : i32
    %ne3A_33 = arith.xori %lt3A_30, %lt3A_32 : i1
    %and3A_34 = arith.andi %ne3A_33, %ne3A_29 : i1
    %add3A_35 = arith.addi %rem3A_27, %select_n3A_26 : i32
    %select_n3A_36 = arith.select %and3A_34, %add3A_35, %rem3A_27 : i32
    %mul3A_37 = arith.constant 1024 : i32
    %mul3A_38 = arith.muli %select_n3A_36, %mul3A_37 : i32
    %add3A_39 = arith.addi %mul3A_22, %mul3A_38 : i32
    %mul3A_40 = arith.constant 1024 : i32
    %mul3A_41 = arith.muli %mul3A_2, %mul3A_40 : i32
    %add3A_42 = arith.constant 0 : i32
    %add3A_43 = arith.addi %mul3A_41, %add3A_42 : i32
    %dma_start3A = arith.constant 0 : i32
    %dma_start3A_44 = tpu.memref_slice %arg5[%dma_start3A] : memref<2048xi32, #tpu.memory_space<vmem>> -> memref<1024xi32, #tpu.memory_space<vmem>>
    %dma_start3A_45 = tpu.memref_slice %arg3[%add3A_43] : memref<65536xi32, #tpu.memory_space<hbm>> -> memref<1024xi32, #tpu.memory_space<hbm>>
    %dma_start3A_46 = arith.constant 0 : i32
    %dma_start3A_47 = tpu.memref_slice %arg5[%dma_start3A_46] : memref<2048xi32, #tpu.memory_space<vmem>> -> memref<1024xi32, #tpu.memory_space<vmem>>
    %dma_start3A_48 = tpu.memref_slice %arg3[%add3A_43] : memref<65536xi32, #tpu.memory_space<hbm>> -> memref<1024xi32, #tpu.memory_space<hbm>>
    tpu.enqueue_dma source(%dma_start3A_48 : memref<1024xi32, #tpu.memory_space<hbm>>) target(%dma_start3A_47 : memref<1024xi32, #tpu.memory_space<vmem>>) target_semaphore(%arg8 : memref<!tpu.dma_semaphore, #tpu.memory_space<semaphore_mem>>)
    %mul3A_49 = arith.constant 1024 : i32
    %mul3A_50 = arith.muli %mul3A_2, %mul3A_49 : i32
    %add3A_51 = arith.constant 1024 : i32
    %add3A_52 = arith.addi %mul3A_50, %add3A_51 : i32
    %dma_start3A_53 = arith.constant 1024 : i32
    %dma_start3A_54 = tpu.memref_slice %arg5[%dma_start3A_53] : memref<2048xi32, #tpu.memory_space<vmem>> -> memref<1024xi32, #tpu.memory_space<vmem>>
    %dma_start3A_55 = tpu.memref_slice %arg3[%add3A_52] : memref<65536xi32, #tpu.memory_space<hbm>> -> memref<1024xi32, #tpu.memory_space<hbm>>
    %dma_start3A_56 = arith.constant 1024 : i32
    %dma_start3A_57 = tpu.memref_slice %arg5[%dma_start3A_56] : memref<2048xi32, #tpu.memory_space<vmem>> -> memref<1024xi32, #tpu.memory_space<vmem>>
    %dma_start3A_58 = tpu.memref_slice %arg3[%add3A_52] : memref<65536xi32, #tpu.memory_space<hbm>> -> memref<1024xi32, #tpu.memory_space<hbm>>
    tpu.enqueue_dma source(%dma_start3A_58 : memref<1024xi32, #tpu.memory_space<hbm>>) target(%dma_start3A_57 : memref<1024xi32, #tpu.memory_space<vmem>>) target_semaphore(%arg9 : memref<!tpu.dma_semaphore, #tpu.memory_space<semaphore_mem>>)
    %dma_wait3A = arith.constant 0 : i32
    %dma_wait3A_59 = tpu.memref_slice %arg5[%dma_wait3A] : memref<2048xi32, #tpu.memory_space<vmem>> -> memref<1024xi32, #tpu.memory_space<vmem>>
    %dma_wait3A_60 = tpu.memref_slice %arg3[%add3A_43] : memref<65536xi32, #tpu.memory_space<hbm>> -> memref<1024xi32, #tpu.memory_space<hbm>>
    %dma_wait3A_61 = arith.constant 0 : i32
    %dma_wait3A_62 = tpu.memref_slice %arg5[%dma_wait3A_61] : memref<2048xi32, #tpu.memory_space<vmem>> -> memref<1024xi32, #tpu.memory_space<vmem>>
    %dma_wait3A_63 = tpu.memref_slice %arg3[%add3A_43] : memref<65536xi32, #tpu.memory_space<hbm>> -> memref<1024xi32, #tpu.memory_space<hbm>>
    tpu.wait_dma2 semaphore(%arg8 : memref<!tpu.dma_semaphore, #tpu.memory_space<semaphore_mem>>) src(%dma_wait3A_63 : memref<1024xi32, #tpu.memory_space<hbm>>) dst(%dma_wait3A_62 : memref<1024xi32, #tpu.memory_space<vmem>>)
    %scan3A = arith.constant 0 : i32
    %scan3A_64 = arith.constant 0 : i32
    %scan3A_65 = arith.constant 64 : i32
    %scan3A_66 = arith.addi %scan3A_64, %scan3A_65 : i32
    %scan3A_67 = arith.constant 1 : i32
    scf.for %scan3A_201 = %scan3A_64 to %scan3A_66 step %scan3A_67  : i32 {
      %mul3A_202 = arith.constant 1 : i32
      %mul3A_203 = arith.muli %scan3A_201, %mul3A_202 : i32
      %add3A_204 = arith.constant 0 : i32
      %add3A_205 = arith.addi %mul3A_203, %add3A_204 : i32
      %add3A_206 = arith.constant 0 : i32
      %add3A_207 = arith.addi %add3A_206, %add3A_205 : i32
      %mul3A_208 = arith.constant 16 : i32
      %mul3A_209 = arith.muli %add3A_207, %mul3A_208 : i32
      %get3A = arith.index_cast %mul3A_209 : i32 to index
      %get3A_210 = tpu.vector_load %arg5[%get3A] {strides = array<i32>} : memref<2048xi32, #tpu.memory_space<vmem>>, vector<16xi32>,
      %rem3A_211 = arith.constant 64 : i32
      %rem3A_212 = arith.remsi %add3A_207, %rem3A_211 : i32
      %jit3A_213 = arith.constant 8 : i32
      %div3A_214 = arith.divsi %rem3A_212, %jit3A_213 : i32
      %sign3A_215 = arith.constant 0 : i32
      %sign3A_216 = arith.cmpi sgt, %rem3A_212, %sign3A_215 : i32
      %sign3A_217 = arith.extui %sign3A_216 : i1 to i32
      %sign3A_218 = arith.constant 0 : i32
      %sign3A_219 = arith.cmpi slt, %rem3A_212, %sign3A_218 : i32
      %sign3A_220 = arith.extui %sign3A_219 : i1 to i32
      %sign3A_221 = arith.subi %sign3A_217, %sign3A_220 : i32
      %sign3A_222 = arith.constant 0 : i32
      %sign3A_223 = arith.cmpi sgt, %jit3A_213, %sign3A_222 : i32
      %sign3A_224 = arith.extui %sign3A_223 : i1 to i32
      %sign3A_225 = arith.constant 0 : i32
      %sign3A_226 = arith.cmpi slt, %jit3A_213, %sign3A_225 : i32
      %sign3A_227 = arith.extui %sign3A_226 : i1 to i32
      %sign3A_228 = arith.subi %sign3A_224, %sign3A_227 : i32
      %ne3A_229 = arith.cmpi ne, %sign3A_221, %sign3A_228 : i32
      %rem3A_230 = arith.remsi %rem3A_212, %jit3A_213 : i32
      %ne3A_231 = arith.constant 0 : i32
      %ne3A_232 = arith.cmpi ne, %rem3A_230, %ne3A_231 : i32
      %and3A_233 = arith.andi %ne3A_229, %ne3A_232 : i1
      %sub3A_234 = arith.constant 1 : i32
      %sub3A_235 = arith.subi %div3A_214, %sub3A_234 : i32
      %select_n3A_236 = arith.select %and3A_233, %sub3A_235, %div3A_214 : i32
      %mul3A_237 = arith.constant 128 : i32
      %mul3A_238 = arith.muli %select_n3A_236, %mul3A_237 : i32
      %add3A_239 = arith.addi %mul3A_20, %mul3A_238 : i32
      %shift_right_logical3A = arith.constant 7 : i32
      %shift_right_logical3A_240 = vector.broadcast %shift_right_logical3A : i32 to vector<16xi32>
      %shift_right_logical3A_241 = arith.shrui %get3A_210, %shift_right_logical3A_240 : vector<16xi32>
      %mul3A_242 = arith.constant 1024 : i32
      %mul3A_243 = vector.broadcast %mul3A_242 : i32 to vector<16xi32>
      %mul3A_244 = arith.muli %shift_right_logical3A_241, %mul3A_243 : vector<16xi32>
      %and3A_245 = arith.constant 127 : i32
      %and3A_246 = vector.broadcast %and3A_245 : i32 to vector<16xi32>
      %and3A_247 = arith.andi %get3A_210, %and3A_246 : vector<16xi32>
      %add3A_248 = arith.addi %mul3A_244, %and3A_247 : vector<16xi32>
      %add3A_249 = vector.broadcast %add3A_239 : i32 to vector<16xi32>
      %add3A_250 = arith.addi %add3A_249, %add3A_248 : vector<16xi32>
      %mul3A_251 = arith.constant 16 : i32
      %mul3A_252 = arith.muli %add3A_205, %mul3A_251 : i32
      %add3A_253 = arith.constant 0 : i32
      %add3A_254 = arith.addi %add3A_253, %mul3A_252 : i32
      %swap3A = arith.index_cast %add3A_254 : i32 to index
      %swap3A_255 = tpu.vector_load %arg6[%swap3A] {strides = array<i32>} : memref<6144xi32, #tpu.memory_space<vmem>>, vector<16xi32>,
      tpu.vector_store %arg6[%swap3A], %add3A_250 {strides = array<i32>} : memref<6144xi32, #tpu.memory_space<vmem>>, vector<16xi32>,
      %add3A_256 = arith.constant 1048576 : i32
      %add3A_257 = vector.broadcast %add3A_256 : i32 to vector<16xi32>
      %add3A_258 = arith.addi %add3A_250, %add3A_257 : vector<16xi32>
      %add3A_259 = arith.constant 1024 : i32
      %add3A_260 = arith.addi %add3A_259, %add3A_254 : i32
      %swap3A_261 = arith.index_cast %add3A_260 : i32 to index
      %swap3A_262 = tpu.vector_load %arg6[%swap3A_261] {strides = array<i32>} : memref<6144xi32, #tpu.memory_space<vmem>>, vector<16xi32>,
      tpu.vector_store %arg6[%swap3A_261], %add3A_258 {strides = array<i32>} : memref<6144xi32, #tpu.memory_space<vmem>>, vector<16xi32>,
      %add3A_263 = arith.constant 2097152 : i32
      %add3A_264 = vector.broadcast %add3A_263 : i32 to vector<16xi32>
      %add3A_265 = arith.addi %add3A_250, %add3A_264 : vector<16xi32>
      %add3A_266 = arith.constant 2048 : i32
      %add3A_267 = arith.addi %add3A_266, %add3A_254 : i32
      %swap3A_268 = arith.index_cast %add3A_267 : i32 to index
      %swap3A_269 = tpu.vector_load %arg6[%swap3A_268] {strides = array<i32>} : memref<6144xi32, #tpu.memory_space<vmem>>, vector<16xi32>,
      tpu.vector_store %arg6[%swap3A_268], %add3A_265 {strides = array<i32>} : memref<6144xi32, #tpu.memory_space<vmem>>, vector<16xi32>,
    }
    %scan3A_68 = arith.constant 64 : i32
    %dma_start3A_69 = arith.constant 0 : i32
    %dma_start3A_70 = tpu.memref_slice %arg7[%dma_start3A_69] : memref<6144xf32, #tpu.memory_space<vmem>> -> memref<3072xf32, #tpu.memory_space<vmem>>
    %dma_start3A_71 = arith.constant 0 : i32
    %dma_start3A_72 = tpu.memref_slice %arg6[%dma_start3A_71] : memref<6144xi32, #tpu.memory_space<vmem>> -> memref<3072xi32, #tpu.memory_space<vmem>>
    %dma_start3A_73 = arith.constant 0 : i32
    %dma_start3A_74 = tpu.memref_slice %arg2[%dma_start3A_73] : memref<3145728xf32, #tpu.memory_space<hbm>> -> memref<3145728xf32, #tpu.memory_space<hbm>>
    tpu.enqueue_indirect_dma source(%dma_start3A_74 : memref<3145728xf32, #tpu.memory_space<hbm>>) target(%dma_start3A_70 : memref<3072xf32, #tpu.memory_space<vmem>>) offsets(%dma_start3A_72 : memref<3072xi32, #tpu.memory_space<vmem>>) semaphore(%arg10 : memref<!tpu.dma_semaphore, #tpu.memory_space<semaphore_mem>>)
    %dma_wait3A_75 = arith.constant 1024 : i32
    %dma_wait3A_76 = tpu.memref_slice %arg5[%dma_wait3A_75] : memref<2048xi32, #tpu.memory_space<vmem>> -> memref<1024xi32, #tpu.memory_space<vmem>>
    %dma_wait3A_77 = tpu.memref_slice %arg3[%add3A_52] : memref<65536xi32, #tpu.memory_space<hbm>> -> memref<1024xi32, #tpu.memory_space<hbm>>
    %dma_wait3A_78 = arith.constant 1024 : i32
    %dma_wait3A_79 = tpu.memref_slice %arg5[%dma_wait3A_78] : memref<2048xi32, #tpu.memory_space<vmem>> -> memref<1024xi32, #tpu.memory_space<vmem>>
    %dma_wait3A_80 = tpu.memref_slice %arg3[%add3A_52] : memref<65536xi32, #tpu.memory_space<hbm>> -> memref<1024xi32, #tpu.memory_space<hbm>>
    tpu.wait_dma2 semaphore(%arg9 : memref<!tpu.dma_semaphore, #tpu.memory_space<semaphore_mem>>) src(%dma_wait3A_80 : memref<1024xi32, #tpu.memory_space<hbm>>) dst(%dma_wait3A_79 : memref<1024xi32, #tpu.memory_space<vmem>>)
    %scan3A_81 = arith.constant 0 : i32
    %scan3A_82 = arith.constant 0 : i32
    %scan3A_83 = arith.constant 64 : i32
    %scan3A_84 = arith.addi %scan3A_82, %scan3A_83 : i32
    %scan3A_85 = arith.constant 1 : i32
    scf.for %scan3A_201 = %scan3A_82 to %scan3A_84 step %scan3A_85  : i32 {
      %mul3A_202 = arith.constant 1 : i32
      %mul3A_203 = arith.muli %scan3A_201, %mul3A_202 : i32
      %add3A_204 = arith.constant 0 : i32
      %add3A_205 = arith.addi %mul3A_203, %add3A_204 : i32
      %add3A_206 = arith.constant 64 : i32
      %add3A_207 = arith.addi %add3A_206, %add3A_205 : i32
      %mul3A_208 = arith.constant 16 : i32
      %mul3A_209 = arith.muli %add3A_207, %mul3A_208 : i32
      %get3A = arith.index_cast %mul3A_209 : i32 to index
      %get3A_210 = tpu.vector_load %arg5[%get3A] {strides = array<i32>} : memref<2048xi32, #tpu.memory_space<vmem>>, vector<16xi32>,
      %rem3A_211 = arith.constant 64 : i32
      %rem3A_212 = arith.remsi %add3A_207, %rem3A_211 : i32
      %jit3A_213 = arith.constant 8 : i32
      %div3A_214 = arith.divsi %rem3A_212, %jit3A_213 : i32
      %sign3A_215 = arith.constant 0 : i32
      %sign3A_216 = arith.cmpi sgt, %rem3A_212, %sign3A_215 : i32
      %sign3A_217 = arith.extui %sign3A_216 : i1 to i32
      %sign3A_218 = arith.constant 0 : i32
      %sign3A_219 = arith.cmpi slt, %rem3A_212, %sign3A_218 : i32
      %sign3A_220 = arith.extui %sign3A_219 : i1 to i32
      %sign3A_221 = arith.subi %sign3A_217, %sign3A_220 : i32
      %sign3A_222 = arith.constant 0 : i32
      %sign3A_223 = arith.cmpi sgt, %jit3A_213, %sign3A_222 : i32
      %sign3A_224 = arith.extui %sign3A_223 : i1 to i32
      %sign3A_225 = arith.constant 0 : i32
      %sign3A_226 = arith.cmpi slt, %jit3A_213, %sign3A_225 : i32
      %sign3A_227 = arith.extui %sign3A_226 : i1 to i32
      %sign3A_228 = arith.subi %sign3A_224, %sign3A_227 : i32
      %ne3A_229 = arith.cmpi ne, %sign3A_221, %sign3A_228 : i32
      %rem3A_230 = arith.remsi %rem3A_212, %jit3A_213 : i32
      %ne3A_231 = arith.constant 0 : i32
      %ne3A_232 = arith.cmpi ne, %rem3A_230, %ne3A_231 : i32
      %and3A_233 = arith.andi %ne3A_229, %ne3A_232 : i1
      %sub3A_234 = arith.constant 1 : i32
      %sub3A_235 = arith.subi %div3A_214, %sub3A_234 : i32
      %select_n3A_236 = arith.select %and3A_233, %sub3A_235, %div3A_214 : i32
      %mul3A_237 = arith.constant 128 : i32
      %mul3A_238 = arith.muli %select_n3A_236, %mul3A_237 : i32
      %add3A_239 = arith.addi %mul3A_20, %mul3A_238 : i32
      %shift_right_logical3A = arith.constant 7 : i32
      %shift_right_logical3A_240 = vector.broadcast %shift_right_logical3A : i32 to vector<16xi32>
      %shift_right_logical3A_241 = arith.shrui %get3A_210, %shift_right_logical3A_240 : vector<16xi32>
      %mul3A_242 = arith.constant 1024 : i32
      %mul3A_243 = vector.broadcast %mul3A_242 : i32 to vector<16xi32>
      %mul3A_244 = arith.muli %shift_right_logical3A_241, %mul3A_243 : vector<16xi32>
      %and3A_245 = arith.constant 127 : i32
      %and3A_246 = vector.broadcast %and3A_245 : i32 to vector<16xi32>
      %and3A_247 = arith.andi %get3A_210, %and3A_246 : vector<16xi32>
      %add3A_248 = arith.addi %mul3A_244, %and3A_247 : vector<16xi32>
      %add3A_249 = vector.broadcast %add3A_239 : i32 to vector<16xi32>
      %add3A_250 = arith.addi %add3A_249, %add3A_248 : vector<16xi32>
      %mul3A_251 = arith.constant 16 : i32
      %mul3A_252 = arith.muli %add3A_205, %mul3A_251 : i32
      %add3A_253 = arith.constant 3072 : i32
      %add3A_254 = arith.addi %add3A_253, %mul3A_252 : i32
      %swap3A = arith.index_cast %add3A_254 : i32 to index
      %swap3A_255 = tpu.vector_load %arg6[%swap3A] {strides = array<i32>} : memref<6144xi32, #tpu.memory_space<vmem>>, vector<16xi32>,
      tpu.vector_store %arg6[%swap3A], %add3A_250 {strides = array<i32>} : memref<6144xi32, #tpu.memory_space<vmem>>, vector<16xi32>,
      %add3A_256 = arith.constant 1048576 : i32
      %add3A_257 = vector.broadcast %add3A_256 : i32 to vector<16xi32>
      %add3A_258 = arith.addi %add3A_250, %add3A_257 : vector<16xi32>
      %add3A_259 = arith.constant 1024 : i32
      %add3A_260 = arith.addi %add3A_259, %add3A_254 : i32
      %swap3A_261 = arith.index_cast %add3A_260 : i32 to index
      %swap3A_262 = tpu.vector_load %arg6[%swap3A_261] {strides = array<i32>} : memref<6144xi32, #tpu.memory_space<vmem>>, vector<16xi32>,
      tpu.vector_store %arg6[%swap3A_261], %add3A_258 {strides = array<i32>} : memref<6144xi32, #tpu.memory_space<vmem>>, vector<16xi32>,
      %add3A_263 = arith.constant 2097152 : i32
      %add3A_264 = vector.broadcast %add3A_263 : i32 to vector<16xi32>
      %add3A_265 = arith.addi %add3A_250, %add3A_264 : vector<16xi32>
      %add3A_266 = arith.constant 2048 : i32
      %add3A_267 = arith.addi %add3A_266, %add3A_254 : i32
      %swap3A_268 = arith.index_cast %add3A_267 : i32 to index
      %swap3A_269 = tpu.vector_load %arg6[%swap3A_268] {strides = array<i32>} : memref<6144xi32, #tpu.memory_space<vmem>>, vector<16xi32>,
      tpu.vector_store %arg6[%swap3A_268], %add3A_265 {strides = array<i32>} : memref<6144xi32, #tpu.memory_space<vmem>>, vector<16xi32>,
    }
    %scan3A_86 = arith.constant 64 : i32
    %dma_start3A_87 = arith.constant 3072 : i32
    %dma_start3A_88 = tpu.memref_slice %arg7[%dma_start3A_87] : memref<6144xf32, #tpu.memory_space<vmem>> -> memref<3072xf32, #tpu.memory_space<vmem>>
    %dma_start3A_89 = arith.constant 3072 : i32
    %dma_start3A_90 = tpu.memref_slice %arg6[%dma_start3A_89] : memref<6144xi32, #tpu.memory_space<vmem>> -> memref<3072xi32, #tpu.memory_space<vmem>>
    %dma_start3A_91 = arith.constant 0 : i32
    %dma_start3A_92 = tpu.memref_slice %arg2[%dma_start3A_91] : memref<3145728xf32, #tpu.memory_space<hbm>> -> memref<3145728xf32, #tpu.memory_space<hbm>>
    tpu.enqueue_indirect_dma source(%dma_start3A_92 : memref<3145728xf32, #tpu.memory_space<hbm>>) target(%dma_start3A_88 : memref<3072xf32, #tpu.memory_space<vmem>>) offsets(%dma_start3A_90 : memref<3072xi32, #tpu.memory_space<vmem>>) semaphore(%arg11 : memref<!tpu.dma_semaphore, #tpu.memory_space<semaphore_mem>>)
    %dma_wait3A_93 = arith.constant 0 : i32
    %dma_wait3A_94 = tpu.memref_slice %arg7[%dma_wait3A_93] : memref<6144xf32, #tpu.memory_space<vmem>> -> memref<3072xf32, #tpu.memory_space<vmem>>
    %dma_wait3A_95 = arith.constant 0 : i32
    %dma_wait3A_96 = tpu.memref_slice %arg6[%dma_wait3A_95] : memref<6144xi32, #tpu.memory_space<vmem>> -> memref<3072xi32, #tpu.memory_space<vmem>>
    %dma_wait3A_97 = arith.constant 0 : i32
    %dma_wait3A_98 = tpu.memref_slice %arg2[%dma_wait3A_97] : memref<3145728xf32, #tpu.memory_space<hbm>> -> memref<3145728xf32, #tpu.memory_space<hbm>>
    tpu.wait_indirect_dma semaphore(%arg10 : memref<!tpu.dma_semaphore, #tpu.memory_space<semaphore_mem>>) src(%dma_wait3A_98 : memref<3145728xf32, #tpu.memory_space<hbm>>) dst(%dma_wait3A_94 : memref<3072xf32, #tpu.memory_space<vmem>>)
    %add3A_99 = arith.constant 0 : i32
    %add3A_100 = arith.addi %add3A_99, %add3A_39 : i32
    %add3A_101 = arith.constant 0 : i32
    %add3A_102 = arith.addi %add3A_100, %add3A_101 : i32
    %dma_start3A_103 = arith.constant 0 : i32
    %dma_start3A_104 = tpu.memref_slice %arg7[%dma_start3A_103] : memref<6144xf32, #tpu.memory_space<vmem>> -> memref<1024xf32, #tpu.memory_space<vmem>>
    %dma_start3A_105 = tpu.memref_slice %arg4[%add3A_102] : memref<196608xf32, #tpu.memory_space<hbm>> -> memref<1024xf32, #tpu.memory_space<hbm>>
    %dma_start3A_106 = tpu.memref_slice %arg4[%add3A_102] : memref<196608xf32, #tpu.memory_space<hbm>> -> memref<1024xf32, #tpu.memory_space<hbm>>
    %dma_start3A_107 = arith.constant 0 : i32
    %dma_start3A_108 = tpu.memref_slice %arg7[%dma_start3A_107] : memref<6144xf32, #tpu.memory_space<vmem>> -> memref<1024xf32, #tpu.memory_space<vmem>>
    tpu.enqueue_dma source(%dma_start3A_108 : memref<1024xf32, #tpu.memory_space<vmem>>) target(%dma_start3A_106 : memref<1024xf32, #tpu.memory_space<hbm>>) target_semaphore(%arg8 : memref<!tpu.dma_semaphore, #tpu.memory_space<semaphore_mem>>)
    %add3A_109 = arith.constant 65536 : i32
    %add3A_110 = arith.addi %add3A_109, %add3A_39 : i32
    %add3A_111 = arith.constant 0 : i32
    %add3A_112 = arith.addi %add3A_110, %add3A_111 : i32
    %dma_start3A_113 = arith.constant 1024 : i32
    %dma_start3A_114 = tpu.memref_slice %arg7[%dma_start3A_113] : memref<6144xf32, #tpu.memory_space<vmem>> -> memref<1024xf32, #tpu.memory_space<vmem>>
    %dma_start3A_115 = tpu.memref_slice %arg4[%add3A_112] : memref<196608xf32, #tpu.memory_space<hbm>> -> memref<1024xf32, #tpu.memory_space<hbm>>
    %dma_start3A_116 = tpu.memref_slice %arg4[%add3A_112] : memref<196608xf32, #tpu.memory_space<hbm>> -> memref<1024xf32, #tpu.memory_space<hbm>>
    %dma_start3A_117 = arith.constant 1024 : i32
    %dma_start3A_118 = tpu.memref_slice %arg7[%dma_start3A_117] : memref<6144xf32, #tpu.memory_space<vmem>> -> memref<1024xf32, #tpu.memory_space<vmem>>
    tpu.enqueue_dma source(%dma_start3A_118 : memref<1024xf32, #tpu.memory_space<vmem>>) target(%dma_start3A_116 : memref<1024xf32, #tpu.memory_space<hbm>>) target_semaphore(%arg8 : memref<!tpu.dma_semaphore, #tpu.memory_space<semaphore_mem>>)
    %add3A_119 = arith.constant 131072 : i32
    %add3A_120 = arith.addi %add3A_119, %add3A_39 : i32
    %add3A_121 = arith.constant 0 : i32
    %add3A_122 = arith.addi %add3A_120, %add3A_121 : i32
    %dma_start3A_123 = arith.constant 2048 : i32
    %dma_start3A_124 = tpu.memref_slice %arg7[%dma_start3A_123] : memref<6144xf32, #tpu.memory_space<vmem>> -> memref<1024xf32, #tpu.memory_space<vmem>>
    %dma_start3A_125 = tpu.memref_slice %arg4[%add3A_122] : memref<196608xf32, #tpu.memory_space<hbm>> -> memref<1024xf32, #tpu.memory_space<hbm>>
    %dma_start3A_126 = tpu.memref_slice %arg4[%add3A_122] : memref<196608xf32, #tpu.memory_space<hbm>> -> memref<1024xf32, #tpu.memory_space<hbm>>
    %dma_start3A_127 = arith.constant 2048 : i32
    %dma_start3A_128 = tpu.memref_slice %arg7[%dma_start3A_127] : memref<6144xf32, #tpu.memory_space<vmem>> -> memref<1024xf32, #tpu.memory_space<vmem>>
    tpu.enqueue_dma source(%dma_start3A_128 : memref<1024xf32, #tpu.memory_space<vmem>>) target(%dma_start3A_126 : memref<1024xf32, #tpu.memory_space<hbm>>) target_semaphore(%arg8 : memref<!tpu.dma_semaphore, #tpu.memory_space<semaphore_mem>>)
    %dma_wait3A_129 = arith.constant 3072 : i32
    %dma_wait3A_130 = tpu.memref_slice %arg7[%dma_wait3A_129] : memref<6144xf32, #tpu.memory_space<vmem>> -> memref<3072xf32, #tpu.memory_space<vmem>>
    %dma_wait3A_131 = arith.constant 3072 : i32
    %dma_wait3A_132 = tpu.memref_slice %arg6[%dma_wait3A_131] : memref<6144xi32, #tpu.memory_space<vmem>> -> memref<3072xi32, #tpu.memory_space<vmem>>
    %dma_wait3A_133 = arith.constant 0 : i32
    %dma_wait3A_134 = tpu.memref_slice %arg2[%dma_wait3A_133] : memref<3145728xf32, #tpu.memory_space<hbm>> -> memref<3145728xf32, #tpu.memory_space<hbm>>
    tpu.wait_indirect_dma semaphore(%arg11 : memref<!tpu.dma_semaphore, #tpu.memory_space<semaphore_mem>>) src(%dma_wait3A_134 : memref<3145728xf32, #tpu.memory_space<hbm>>) dst(%dma_wait3A_130 : memref<3072xf32, #tpu.memory_space<vmem>>)
    %add3A_135 = arith.constant 0 : i32
    %add3A_136 = arith.addi %add3A_135, %add3A_39 : i32
    %add3A_137 = arith.constant 1024 : i32
    %add3A_138 = arith.addi %add3A_136, %add3A_137 : i32
    %dma_start3A_139 = arith.constant 3072 : i32
    %dma_start3A_140 = tpu.memref_slice %arg7[%dma_start3A_139] : memref<6144xf32, #tpu.memory_space<vmem>> -> memref<1024xf32, #tpu.memory_space<vmem>>
    %dma_start3A_141 = tpu.memref_slice %arg4[%add3A_138] : memref<196608xf32, #tpu.memory_space<hbm>> -> memref<1024xf32, #tpu.memory_space<hbm>>
    %dma_start3A_142 = tpu.memref_slice %arg4[%add3A_138] : memref<196608xf32, #tpu.memory_space<hbm>> -> memref<1024xf32, #tpu.memory_space<hbm>>
    %dma_start3A_143 = arith.constant 3072 : i32
    %dma_start3A_144 = tpu.memref_slice %arg7[%dma_start3A_143] : memref<6144xf32, #tpu.memory_space<vmem>> -> memref<1024xf32, #tpu.memory_space<vmem>>
    tpu.enqueue_dma source(%dma_start3A_144 : memref<1024xf32, #tpu.memory_space<vmem>>) target(%dma_start3A_142 : memref<1024xf32, #tpu.memory_space<hbm>>) target_semaphore(%arg9 : memref<!tpu.dma_semaphore, #tpu.memory_space<semaphore_mem>>)
    %add3A_145 = arith.constant 65536 : i32
    %add3A_146 = arith.addi %add3A_145, %add3A_39 : i32
    %add3A_147 = arith.constant 1024 : i32
    %add3A_148 = arith.addi %add3A_146, %add3A_147 : i32
    %dma_start3A_149 = arith.constant 4096 : i32
    %dma_start3A_150 = tpu.memref_slice %arg7[%dma_start3A_149] : memref<6144xf32, #tpu.memory_space<vmem>> -> memref<1024xf32, #tpu.memory_space<vmem>>
    %dma_start3A_151 = tpu.memref_slice %arg4[%add3A_148] : memref<196608xf32, #tpu.memory_space<hbm>> -> memref<1024xf32, #tpu.memory_space<hbm>>
    %dma_start3A_152 = tpu.memref_slice %arg4[%add3A_148] : memref<196608xf32, #tpu.memory_space<hbm>> -> memref<1024xf32, #tpu.memory_space<hbm>>
    %dma_start3A_153 = arith.constant 4096 : i32
    %dma_start3A_154 = tpu.memref_slice %arg7[%dma_start3A_153] : memref<6144xf32, #tpu.memory_space<vmem>> -> memref<1024xf32, #tpu.memory_space<vmem>>
    tpu.enqueue_dma source(%dma_start3A_154 : memref<1024xf32, #tpu.memory_space<vmem>>) target(%dma_start3A_152 : memref<1024xf32, #tpu.memory_space<hbm>>) target_semaphore(%arg9 : memref<!tpu.dma_semaphore, #tpu.memory_space<semaphore_mem>>)
    %add3A_155 = arith.constant 131072 : i32
    %add3A_156 = arith.addi %add3A_155, %add3A_39 : i32
    %add3A_157 = arith.constant 1024 : i32
    %add3A_158 = arith.addi %add3A_156, %add3A_157 : i32
    %dma_start3A_159 = arith.constant 5120 : i32
    %dma_start3A_160 = tpu.memref_slice %arg7[%dma_start3A_159] : memref<6144xf32, #tpu.memory_space<vmem>> -> memref<1024xf32, #tpu.memory_space<vmem>>
    %dma_start3A_161 = tpu.memref_slice %arg4[%add3A_158] : memref<196608xf32, #tpu.memory_space<hbm>> -> memref<1024xf32, #tpu.memory_space<hbm>>
    %dma_start3A_162 = tpu.memref_slice %arg4[%add3A_158] : memref<196608xf32, #tpu.memory_space<hbm>> -> memref<1024xf32, #tpu.memory_space<hbm>>
    %dma_start3A_163 = arith.constant 5120 : i32
    %dma_start3A_164 = tpu.memref_slice %arg7[%dma_start3A_163] : memref<6144xf32, #tpu.memory_space<vmem>> -> memref<1024xf32, #tpu.memory_space<vmem>>
    tpu.enqueue_dma source(%dma_start3A_164 : memref<1024xf32, #tpu.memory_space<vmem>>) target(%dma_start3A_162 : memref<1024xf32, #tpu.memory_space<hbm>>) target_semaphore(%arg9 : memref<!tpu.dma_semaphore, #tpu.memory_space<semaphore_mem>>)
    %dma_wait3A_165 = arith.constant 0 : i32
    %dma_wait3A_166 = tpu.memref_slice %arg7[%dma_wait3A_165] : memref<6144xf32, #tpu.memory_space<vmem>> -> memref<1024xf32, #tpu.memory_space<vmem>>
    %dma_wait3A_167 = tpu.memref_slice %arg4[%add3A_102] : memref<196608xf32, #tpu.memory_space<hbm>> -> memref<1024xf32, #tpu.memory_space<hbm>>
    %dma_wait3A_168 = tpu.memref_slice %arg4[%add3A_102] : memref<196608xf32, #tpu.memory_space<hbm>> -> memref<1024xf32, #tpu.memory_space<hbm>>
    %dma_wait3A_169 = arith.constant 0 : i32
    %dma_wait3A_170 = tpu.memref_slice %arg7[%dma_wait3A_169] : memref<6144xf32, #tpu.memory_space<vmem>> -> memref<1024xf32, #tpu.memory_space<vmem>>
    tpu.wait_dma2 semaphore(%arg8 : memref<!tpu.dma_semaphore, #tpu.memory_space<semaphore_mem>>) src(%dma_wait3A_170 : memref<1024xf32, #tpu.memory_space<vmem>>) dst(%dma_wait3A_168 : memref<1024xf32, #tpu.memory_space<hbm>>)
    %dma_wait3A_171 = arith.constant 1024 : i32
    %dma_wait3A_172 = tpu.memref_slice %arg7[%dma_wait3A_171] : memref<6144xf32, #tpu.memory_space<vmem>> -> memref<1024xf32, #tpu.memory_space<vmem>>
    %dma_wait3A_173 = tpu.memref_slice %arg4[%add3A_112] : memref<196608xf32, #tpu.memory_space<hbm>> -> memref<1024xf32, #tpu.memory_space<hbm>>
    %dma_wait3A_174 = tpu.memref_slice %arg4[%add3A_112] : memref<196608xf32, #tpu.memory_space<hbm>> -> memref<1024xf32, #tpu.memory_space<hbm>>
    %dma_wait3A_175 = arith.constant 1024 : i32
    %dma_wait3A_176 = tpu.memref_slice %arg7[%dma_wait3A_175] : memref<6144xf32, #tpu.memory_space<vmem>> -> memref<1024xf32, #tpu.memory_space<vmem>>
    tpu.wait_dma2 semaphore(%arg8 : memref<!tpu.dma_semaphore, #tpu.memory_space<semaphore_mem>>) src(%dma_wait3A_176 : memref<1024xf32, #tpu.memory_space<vmem>>) dst(%dma_wait3A_174 : memref<1024xf32, #tpu.memory_space<hbm>>)
    %dma_wait3A_177 = arith.constant 2048 : i32
    %dma_wait3A_178 = tpu.memref_slice %arg7[%dma_wait3A_177] : memref<6144xf32, #tpu.memory_space<vmem>> -> memref<1024xf32, #tpu.memory_space<vmem>>
    %dma_wait3A_179 = tpu.memref_slice %arg4[%add3A_122] : memref<196608xf32, #tpu.memory_space<hbm>> -> memref<1024xf32, #tpu.memory_space<hbm>>
    %dma_wait3A_180 = tpu.memref_slice %arg4[%add3A_122] : memref<196608xf32, #tpu.memory_space<hbm>> -> memref<1024xf32, #tpu.memory_space<hbm>>
    %dma_wait3A_181 = arith.constant 2048 : i32
    %dma_wait3A_182 = tpu.memref_slice %arg7[%dma_wait3A_181] : memref<6144xf32, #tpu.memory_space<vmem>> -> memref<1024xf32, #tpu.memory_space<vmem>>
    tpu.wait_dma2 semaphore(%arg8 : memref<!tpu.dma_semaphore, #tpu.memory_space<semaphore_mem>>) src(%dma_wait3A_182 : memref<1024xf32, #tpu.memory_space<vmem>>) dst(%dma_wait3A_180 : memref<1024xf32, #tpu.memory_space<hbm>>)
    %dma_wait3A_183 = arith.constant 3072 : i32
    %dma_wait3A_184 = tpu.memref_slice %arg7[%dma_wait3A_183] : memref<6144xf32, #tpu.memory_space<vmem>> -> memref<1024xf32, #tpu.memory_space<vmem>>
    %dma_wait3A_185 = tpu.memref_slice %arg4[%add3A_138] : memref<196608xf32, #tpu.memory_space<hbm>> -> memref<1024xf32, #tpu.memory_space<hbm>>
    %dma_wait3A_186 = tpu.memref_slice %arg4[%add3A_138] : memref<196608xf32, #tpu.memory_space<hbm>> -> memref<1024xf32, #tpu.memory_space<hbm>>
    %dma_wait3A_187 = arith.constant 3072 : i32
    %dma_wait3A_188 = tpu.memref_slice %arg7[%dma_wait3A_187] : memref<6144xf32, #tpu.memory_space<vmem>> -> memref<1024xf32, #tpu.memory_space<vmem>>
    tpu.wait_dma2 semaphore(%arg9 : memref<!tpu.dma_semaphore, #tpu.memory_space<semaphore_mem>>) src(%dma_wait3A_188 : memref<1024xf32, #tpu.memory_space<vmem>>) dst(%dma_wait3A_186 : memref<1024xf32, #tpu.memory_space<hbm>>)
    %dma_wait3A_189 = arith.constant 4096 : i32
    %dma_wait3A_190 = tpu.memref_slice %arg7[%dma_wait3A_189] : memref<6144xf32, #tpu.memory_space<vmem>> -> memref<1024xf32, #tpu.memory_space<vmem>>
    %dma_wait3A_191 = tpu.memref_slice %arg4[%add3A_148] : memref<196608xf32, #tpu.memory_space<hbm>> -> memref<1024xf32, #tpu.memory_space<hbm>>
    %dma_wait3A_192 = tpu.memref_slice %arg4[%add3A_148] : memref<196608xf32, #tpu.memory_space<hbm>> -> memref<1024xf32, #tpu.memory_space<hbm>>
    %dma_wait3A_193 = arith.constant 4096 : i32
    %dma_wait3A_194 = tpu.memref_slice %arg7[%dma_wait3A_193] : memref<6144xf32, #tpu.memory_space<vmem>> -> memref<1024xf32, #tpu.memory_space<vmem>>
    tpu.wait_dma2 semaphore(%arg9 : memref<!tpu.dma_semaphore, #tpu.memory_space<semaphore_mem>>) src(%dma_wait3A_194 : memref<1024xf32, #tpu.memory_space<vmem>>) dst(%dma_wait3A_192 : memref<1024xf32, #tpu.memory_space<hbm>>)
    %dma_wait3A_195 = arith.constant 5120 : i32
    %dma_wait3A_196 = tpu.memref_slice %arg7[%dma_wait3A_195] : memref<6144xf32, #tpu.memory_space<vmem>> -> memref<1024xf32, #tpu.memory_space<vmem>>
    %dma_wait3A_197 = tpu.memref_slice %arg4[%add3A_158] : memref<196608xf32, #tpu.memory_space<hbm>> -> memref<1024xf32, #tpu.memory_space<hbm>>
    %dma_wait3A_198 = tpu.memref_slice %arg4[%add3A_158] : memref<196608xf32, #tpu.memory_space<hbm>> -> memref<1024xf32, #tpu.memory_space<hbm>>
    %dma_wait3A_199 = arith.constant 5120 : i32
    %dma_wait3A_200 = tpu.memref_slice %arg7[%dma_wait3A_199] : memref<6144xf32, #tpu.memory_space<vmem>> -> memref<1024xf32, #tpu.memory_space<vmem>>
    tpu.wait_dma2 semaphore(%arg9 : memref<!tpu.dma_semaphore, #tpu.memory_space<semaphore_mem>>) src(%dma_wait3A_200 : memref<1024xf32, #tpu.memory_space<vmem>>) dst(%dma_wait3A_198 : memref<1024xf32, #tpu.memory_space<hbm>>)
    return
  }
}

</mosaic_0001>

<sc_bundles>
// kernel: kernel.3.cloned.1.call-start
scs
__scs_entry_jumppad:
0x0: {  	(pc) =	sbr.rel $0x88, $3  }
0x1: {  	(tag) =	ssettag $0x0;
	lr =	simm.s32 $0x1  }
0x2: {  	[smem:$0x3F9F] =	sst lr;
	_ =	strace $0xD0000000  }
0x3: {  	_ = 	snop  }
0x4: {  	_ = 	snop  }
0x5: {  	_ = 	snop  }
0x6: {  	_ = 	snop  }
0x7: {  	_ = 	snop  }
__scs_overlays_trampoline_lowered:
0x8: {  	[smem:$0x3FAE] =	sst s0  }
0x9: {  	[smem:$0x3FAF] =	sst s1  }
0xa: {  	[smem:$0x3FB0] =	sst s2  }
0xb: {  	[smem:$0x3FB1] =	sst s3  }
0xc: {  	[smem:$0x3FB2] =	sst s4  }
0xd: {  	[smem:$0x3FB3] =	sst s5  }
0xe: {  	[smem:$0x3FB4] =	sst s6  }
0xf: {  	[smem:$0x3FB5] =	sst s7  }
0x10: {  	[smem:$0x3FB6] =	sst s8  }
0x11: {  	[smem:$0x3FB7] =	sst s9;
	s0 =	simm.s32 @!p0 $0x0  }
0x12: {  	s1 =	sld [smem:$0x3F9D];
	s0 =	simm.s32 @p0 $0x1  }
0x13: {  	[smem:$0x3FB8] =	sst s0;
	s0 =	simm.s32 @!p1 $0x0  }
0x14: {  	s2 =	sld [smem:$0x3F9C];
	s0 =	simm.s32 @p1 $0x1  }
0x15: {  	[smem:$0x3FB9] =	sst s0;
	s0 =	simm.s32 @!p2 $0x0  }
0x16: {  	s3 =	sld [smem:$0x3FDB];
	s0 =	simm.s32 @p2 $0x1  }
0x17: {  	s4 =	simm.s32 $0x1BF5;
	[smem:$0x3FBB] =	sst s0  }
0x18: {  	s0 =	sld [smem:$0x3F9E];
	_ =	swait.ge [sflag:s4], $0x0  }
0x19: {  	s7 =	sld [smem:$0x3F9F]  }
0x1a: {  	s8 =	sadd.s32 $0xFFFFE003, lr  }
0x1b: {  	s9 =	sadd.s32 $0xFFFFFEF7, lr;
	s5 =	simm.s32 $0xFFFFFFFF;
	p2 =	slt.u32 s8, $0xFFFFF086  }
0x1c: {  	p1 =	slt.u32 s9, $0xF7A;
	s5 =	simm.s32 @!p2 $0x0  }
0x1d: {  	s5 =	simm.s32 @p1 $0x1;
	p0 =	seq.s32 s7, s2  }
0x1e: {  	s7 =	smul.u32 @!p0 $0xF7A, s2;
	p2 =	seq.s32 @!p0 s5, $0x0  }
0x1f: {  	s9 =	smul.u32 $0xF7A, s1;
	s8 =	simm.s32 @!p0 $0x1BF5;
	p2 =	por !p2, p0  }
0x20: {  	[sflag:s8] =	ssyncset.s32 @!p0 $0xFFFFF086;
	s6 =	sadd.s32 @!p0 s3, s7;
	s7 =	simm.s32 @!p0 $0x108  }
0x21: {  	s3 =	sadd.s32 s3, s9;
	s6 =	sadd.s32 @!p0 $0x88, s6;
	s7 =	simm.s32 @p2 $0x1082  }
0x22: {  	[simem:s7], [sflag:s8] =	dma.local @!p0 [hbm:s6], $0xF7A  }
0x23: {  	s9 =	sor.u32 $0xD0000000, s2;
	s6 =	simm.s32 $0x108;
	_ =	swait.ge @!p0 [sflag:s8], $0x0  }
0x24: {  	s3 =	sadd.s32 $0x88, s3;
	s6 =	simm.s32 @!p1 $0x1082;
	[sflag:s4] =	ssyncset.s32 $0xFFFFF086  }
0x25: {  	[simem:s6], [sflag:s4] =	dma.local [hbm:s3], $0xF7A  }
0x26: {  	[smem:$0x3F9F] =	sst s1;
	(tag) =	ssettag s2;
	_ =	strace s9  }
0x27: {  	s1 =	sld [smem:$0x3FAF]  }
0x28: {  	s2 =	sld [smem:$0x3FB0]  }
0x29: {  	s4 =	sld [smem:$0x3FB2]  }
0x2a: {  	p0 =	seq.s32 s5, $0x0;
	s5 =	sld [smem:$0x3FB3]  }
0x2b: {  	s6 =	sld [smem:$0x3FB4]  }
0x2c: {  	s7 =	sld [smem:$0x3FB5]  }
0x2d: {  	s3 =	simm.s32 $0x108;
	s8 =	sld [smem:$0x3FB6]  }
0x2e: {  	s3 =	simm.s32 @!p0 $0x1082;
	s9 =	sld [smem:$0x3FB7]  }
0x2f: {  	lr =	sadd.s32 s0, s3;
	s0 =	sld [smem:$0x3FAE]  }
0x30: {  	s3 =	sld [smem:$0x3FB1]  }
0x31: {  	[smem:$0x3FBA] =	sst s10  }
0x32: {  	s10 =	sld [smem:$0x3FB8];
	_ =	sdelay $0x3  }
0x33: {  	p0 =	seq.s32 s10, $0x1;
	s10 =	sld [smem:$0x3FBA];
	_ =	sdelay $0x3  }
0x34: {  	[smem:$0x3FBA] =	sst s10  }
0x35: {  	s10 =	sld [smem:$0x3FB9];
	_ =	sdelay $0x3  }
0x36: {  	p1 =	seq.s32 s10, $0x1;
	s10 =	sld [smem:$0x3FBA];
	_ =	sdelay $0x3  }
0x37: {  	[smem:$0x3FBA] =	sst s10  }
0x38: {  	s10 =	sld [smem:$0x3FBB]  }
0x39: {  	_ = 	snop;
	(pc) =	sbr.ind lr, $3  }
0x3a: {  	_ = 	snop  }
0x3b: {  	_ = 	snop  }
0x3c: {  	p2 =	seq.s32 s10, $0x1;
	s10 =	sld [smem:$0x3FBA]  }
0x3d: {  	_ =	shalt  }
0x3e: {  	_ =	shalt  }
0x3f: {  	_ =	shalt  }
0x40: {  	_ =	shalt  }
0x41: {  	_ =	shalt  }
0x42: {  	_ =	shalt  }
0x43: {  	_ =	shalt  }
0x44: {  	_ =	shalt  }
0x45: {  	_ =	shalt  }
0x46: {  	_ =	shalt  }
0x47: {  	_ =	shalt  }
0x48: {  	_ =	shalt  }
0x49: {  	_ =	shalt  }
0x4a: {  	_ =	shalt  }
0x4b: {  	_ =	shalt  }
0x4c: {  	_ =	shalt  }
0x4d: {  	_ =	shalt  }
0x4e: {  	_ =	shalt  }
0x4f: {  	_ =	shalt  }
0x50: {  	_ =	shalt  }
0x51: {  	_ =	shalt  }
0x52: {  	_ =	shalt  }
0x53: {  	_ =	shalt  }
0x54: {  	_ =	shalt  }
0x55: {  	_ =	shalt  }
0x56: {  	_ =	shalt  }
0x57: {  	_ =	shalt  }
0x58: {  	_ =	shalt  }
0x59: {  	_ =	shalt  }
0x5a: {  	_ =	shalt  }
0x5b: {  	_ =	shalt  }
0x5c: {  	_ =	shalt  }
0x5d: {  	_ =	shalt  }
0x5e: {  	_ =	shalt  }
0x5f: {  	_ =	shalt  }
0x60: {  	_ =	shalt  }
0x61: {  	_ =	shalt  }
0x62: {  	_ =	shalt  }
0x63: {  	_ =	shalt  }
0x64: {  	_ =	shalt  }
0x65: {  	_ =	shalt  }
0x66: {  	_ =	shalt  }
0x67: {  	_ =	shalt  }
0x68: {  	_ =	shalt  }
0x69: {  	_ =	shalt  }
0x6a: {  	_ =	shalt  }
0x6b: {  	_ =	shalt  }
0x6c: {  	_ =	shalt  }
0x6d: {  	_ =	shalt  }
0x6e: {  	_ =	shalt  }
0x6f: {  	_ =	shalt  }
0x70: {  	_ =	shalt  }
0x71: {  	_ =	shalt  }
0x72: {  	_ =	shalt  }
0x73: {  	_ =	shalt  }
0x74: {  	_ =	shalt  }
0x75: {  	_ =	shalt  }
0x76: {  	_ =	shalt  }
0x77: {  	_ =	shalt  }
0x78: {  	_ =	shalt  }
0x79: {  	_ =	shalt  }
0x7a: {  	_ =	shalt  }
0x7b: {  	_ =	shalt  }
0x7c: {  	_ =	shalt  }
0x7d: {  	_ =	shalt  }
0x7e: {  	_ =	shalt  }
0x7f: {  	_ =	shalt  }
0x80: {  	_ =	shalt  }
0x81: {  	_ =	shalt  }
0x82: {  	_ =	shalt  }
0x83: {  	_ =	shalt  }
0x84: {  	_ =	shalt  }
0x85: {  	_ =	shalt  }
0x86: {  	_ =	shalt  }
0x87: {  	_ =	shalt  }
.Lfunc_end0:
.L_simem_size_0:
called_computation_lowered:
.L_overlay_start_0:
0x88: {  	s2 =	sld [smem:$0x3FD9]  }
0x89: {  	s3 =	sld [smem:$0x3FFE];
	_ =	sdelay $0x1  }
0x8a: {  	s1 =	srdreg.scid  }
0x8b: {  	s0 =	sand.u32 $0x1, s1  }
0x8c: {  	s18 =	sshll.u32 s0, $0xA;
	s2 =	sadd.s32 s3, s2  }
0x8d: {  	s2 =	sadd.s32 s2, s18  }
0x8e: {  	[smem:$0x3FC6] =	sst s2  }
0x8f: {  	_ = 	snop  }
0x90: {  	s2 =	sld [smem:$0x3FC9]  }
0x91: {  	s19 =	sld [smem:$0x3FC8]  }
0x92: {  	s4 =	sld [smem:$0x3FD0];
	(tm) =	ssettm $0x1  }
0x93: {  	s5 =	sld [smem:$0x3FFB];
	_ =	sdelay $0x3  }
0x94: {  	_ =	strace s5  }
0x95: {  	s5 =	sld [smem:$0x3FFC];
	_ =	sdelay $0x3  }
0x96: {  	_ =	strace s5  }
0x97: {  	s5 =	sld [smem:$0x3FFD];
	_ =	sdelay $0x3  }
0x98: {  	_ =	strace s5  }
0x99: {  	_ =	strace $0x8FFFFFFF  }
0x9a: {  	s20 =	sld [smem:$0x3FDB];
	_ =	sdelay $0x1  }
0x9b: {  	s6 =	simm.s32 $_scs_section_size  }
0x9c: {  	s7 =	simm.s32 $_size__tile_overlayer_lowered;
	s8 =	simm.s32 $_tile_overlayer_lowered  }
0x9d: {  	s23 =	simm.s32 $0x1BFF;
	s22 =	sshll.u32 s8, $0x1;
	s5 =	sadd.s32 s6, s20  }
0x9e: {  	s9 =	simm.s32 $0x0;
	s21 =	sshll.u32 s7, $0x1;
	s7 =	sadd.s32 s22, s5  }
0x9f: {  	[timem:s9], [sflag:s23] =	dma.local [hbm:s7], s21  }
0xa0: {  	_ =	swait.ge [sflag:s23], s21  }
0xa1: {  	s6 =	ssub.s32 $0x0, s21;
	[sflag:s23] =	ssyncset.done $0x0  }
0xa2: {  	[sflag:s23] =	ssyncadd.s32 s6;
	_ =	sdelay $0x1  }
0xa3: {  	s24 =	simm.s32 $0x1B8B  }
0xa4: {  	_ =	swait.ge [sflag:s24], $0x1  }
0xa5: {  	[sflag:s24] =	ssyncset.done $0x0  }
0xa6: {  	s25 =	simm.s32 $0x1B8E;
	[sflag:s24] =	ssyncadd.s32 $0xFFFFFFFF  }
0xa7: {  	s26 =	simm.s32 $execute0_lowered;
	[smem:$0x3FD2] =	sst s25  }
0xa8: {  	s6 =	sshll.u32 s26, $0x1;
	_ =	strace $0x80000046;
	[dreg:$0x1] =	wrdreg $0xFFFFFFFF  }
0xa9: {  	s28 =	simm.s32 $_size_execute0_lowered;
	s5 =	sadd.s32 s5, s6;
	[dreg:$0x0] =	wrdreg $0x0  }
0xaa: {  	s6 =	sshll.u32 s28, $0x1;
	[dreg:$0x2] =	wrdreg s5  }
0xab: {  	[dreg:$0x3] =	wrdreg s6  }
0xac: {  	[dreg:$0x4] =	wrdreg $0xC0  }
0xad: {  	_ =	task [dreg:s9], $0x5FFFF  }
0xae: {  	[dreg:$0x1] =	wrdreg $0xFFFFFFFF  }
0xaf: {  	[dreg:$0x0] =	wrdreg $0x60  }
0xb0: {  	[dreg:$0x2] =	wrdreg s2  }
0xb1: {  	[dreg:$0x3] =	wrdreg s19  }
0xb2: {  	[dreg:$0x4] =	wrdreg s4  }
0xb3: {  	[dreg:$0x5] =	wrdreg $0x9  }
0xb4: {  	_ =	task.clear_ibuf [dreg:s9], $0x6FFFF;
	_ =	strace $0x90000046  }
0xb5: {  	s29 =	simm.s32 $0x9;
	_ =	strace $0x80000048  }
0xb6: {  	_ =	swait.ge [sflag:s29], $0x1  }
0xb7: {  	[sflag:s29] =	ssyncadd.s32 $0xFFFFFFFF  }
0xb8: {  	_ =	strace $0x90000048  }
0xb9: {  	_ =	sfence  }
0xba: {  	s30 =	sld [smem:$0x0];
	_ =	sdelay $0x2  }
0xbb: {  	s31 =	sshll.u32 s1, $0xD;
	s1 =	sshrl.u32 s1, $0x2  }
0xbc: {  	s3 =	sand.u32 $0x4000, s31;
	s1 =	sadd.s32 s1, s30  }
0xbd: {  	s0 =	sor.u32 s3, s0;
	s1 =	sshll.u32 s1, $0x11  }
0xbe: {  	s0 =	sor.u32 s1, s0  }
0xbf: {  	s0 =	sadd.s32 $0x8F2B, s0  }
0xc0: {  	[sflag:s0] =	ssyncadd.remote.s32 $0x1  }
0xc1: {  	_ =	sfence.sel $0xFFFF  }
0xc2: {  	[dreg:$0x0] =	wrdreg $0xFFFFFFFF;
	(pc) =	sbr.abs _section_cstart, $3  }
0xc3: {  	[dreg:$0x1] =	wrdreg $0xFFFFFFFF  }
0xc4: {  	_ =	task.clear_ibuf [dreg:s9], $0x2FFFF;
	_ =	strace $0x9FFFFFFF  }
0xc5: {  	(tm) =	ssettm $0x7FFFFFFF  }
tec
execute0_lowered:
.L_overlay_start_1:
0x0: {  	(tag) =	ssettag $0x1  }
0x1: {  	s1 =	rddreg [dreg:$0x0]  }
0x2: {  	s0 =	rddreg [dreg:$0x1]  }
0x3: {  	s2 =	rddreg [dreg:$0x2];
	s3 =	simm.s32 $0x0  }
0x4: {  	s4 =	srdreg.scid;
	s7 =	stileid.u32;
	s15 =	simm.s32 $0x1  }
0x5: {  	s16 =	simm.s32 $0xC00;
	s17 =	simm.s32 $0x800;
	s18 =	simm.s32 $0x2000  }
0x6: {  	s19 =	simm.s32 $0x2;
	s20 =	simm.s32 $0x1400;
	s21 =	simm.s32 $0x2C00  }
0x7: {  	s22 =	simm.s32 $0x3;
	s23 =	simm.s32 $0x2400;
	s24 =	simm.s32 $0x2800  }
0x8: {  	s25 =	simm.s32 $0x4;
	s28 =	simm.s32 $0x3400;
	s29 =	simm.s32 $0x0  }
0x9: {  	[smem:$0x7FF] =	sst s3;
	s4 =	sand.u32 $0x1, s4;
	s5 =	sshll.u32 s7, $0x9  }
0xa: {  	s26 =	sshrl.u32 s7, $0x3;
	s6 =	sshll.u32 s4, $0x8;
	s4 =	ssub.s32 $0x2, s4  }
0xb: {  	_ =	strace $0x80000047;
	s5 =	sor.u32 s6, s5;
	s30 =	sshrl.u32 s4, $0x1  }
0xc: {  	s9 =	sshll.u32 s26, $0xC;
	s8 =	sand.u32 $0xF00, s5;
	s13 =	ssub.s32 s4, s30  }
0xd: {  	s4 =	sadd.s32 s0, s5;
	s5 =	sshll.u32 s26, $0x13;
	s31 =	sor.u32 s9, s8  }
0xe: {  	s26 =	simm.s32 $0x3000;
	s6 =	sadd.s32 $0x80, s4;
	s7 =	sadd.s32 s2, s31  }
0xf: {  	s13 =	smax.u32 s13, $0x1;
	s8 =	sadd.s32 $0x2000, s7;
	s9 =	sadd.s32 $0x4000, s7  }
0x10: {  	s10 =	sadd.s32 $0x80, s7;
	s11 =	sadd.s32 $0x2080, s7;
	s12 =	sadd.s32 $0x4080, s7  }
.LBB2_1:
0x11: {  	[tilespmem:s3], [sflag:$0x1] =	stream.linear.gather [hbm4b:s4+s3], $0x400, $0x38;
	[tilespmem:$0x3800] =	vst v63  }
0x12: {  	s0 =	simm.s32 $0x400  }
0x13: {  	[tilespmem:s0], [sflag:$0x2] =	stream.linear.gather [hbm4b:s6+s3], $0x400, $0x38;
	[tilespmem:$0x3800] =	vst v63  }
0x14: {  	_ =	swait.ge [sflag:s15], $0x400  }
0x15: {  	[sflag:s15] =	ssyncset.done $0x0  }
0x16: {  	[sflag:s15] =	ssyncadd.s32 $0xFFFFFC00  }
0x17: {  	v0 =	vld [tilespmem:s3+$0x0];
	_ =	sdelay $0x4  }
0x18: {  	v1 =	vshll.u32 v0, $0x3  }
0x19: {  	s14 =	sand.u32 $0x380, s3;
	v0 =	vand.u32 $0x7F, v0;
	v1 =	vand.u32 $0xFFFFFC00, v1  }
0x1a: {  	s0 =	sor.u32 s5, s14;
	v0 =	vor.u32 v0, v1  }
0x1b: {  	s30 =	simm.s32 $0x1000;
	v0 =	vadd.s32 s0, v0  }
0x1c: {  	[tilespmem:s30+$0xFFFFF800] =	vst v0;
	v1 =	vadd.s32 $0x100000, v0  }
0x1d: {  	v0 =	vadd.s32 $0x200000, v0;
	[tilespmem:s30+$0xFFFFFC00] =	vst v1  }
0x1e: {  	s31 =	simm.s32 $0x10;
	[tilespmem:s30+$0x0] =	vst v0  }
0x1f: {  	s2 =	simm.s32 $0x10;
	s0 =	simm.s32 $0x20;
	v0 =	vld [tilespmem:s31+$0x0]  }
.LBB2_2:
0x20: {  	p0 =	sne.s32 s0, $0x3F0;
	_ =	sdelay $0x3  }
0x21: {  	v1 =	vshll.u32 v0, $0x3  }
0x22: {  	s14 =	sand.u32 $0x380, s31;
	s31 =	smov.u32 s0;
	v0 =	vand.u32 $0x7F, v0;
	v1 =	vand.u32 $0xFFFFFC00, v1  }
0x23: {  	s14 =	sor.u32 s5, s14;
	v0 =	vor.u32 v0, v1  }
.Ltmp0:
0x24: {  	s30 =	sadd.s32 $0x10, s30;
	v0 =	vadd.s32 s14, v0;
	(pc) =	sbr.rel @p0 .LBB2_2-.Ltmp0, $4  }
0x25: {  	[tilespmem:s30+$0xFFFFF800] =	vst v0;
	v1 =	vadd.s32 $0x100000, v0;
	v0 =	vadd.s32 $0x200000, v0  }
0x26: {  	[tilespmem:s30+$0xFFFFFC00] =	vst v1  }
0x27: {  	s2 =	sadd.s32 $0x10, s2;
	[tilespmem:s30+$0x0] =	vst v0  }
0x28: {  	s0 =	sadd.s32 $0x10, s0;
	v0 =	vld [tilespmem:s2+$0x0]  }
0x29: {  	_ =	sdelay $0x3  }
0x2a: {  	v1 =	vshll.u32 v0, $0x3  }
0x2b: {  	s0 =	sand.u32 $0x380, s31;
	v0 =	vand.u32 $0x7F, v0;
	v1 =	vand.u32 $0xFFFFFC00, v1  }
0x2c: {  	s0 =	sor.u32 s5, s0;
	v0 =	vor.u32 v0, v1  }
0x2d: {  	s14 =	sadd.s32 $0x10, s30;
	v0 =	vadd.s32 s0, v0  }
0x2e: {  	[tilespmem:s14+$0xFFFFF800] =	vst v0;
	v1 =	vadd.s32 $0x100000, v0  }
0x2f: {  	v0 =	vadd.s32 $0x200000, v0;
	[tilespmem:s14+$0xFFFFFC00] =	vst v1  }
0x30: {  	[tilespmem:s14+$0x0] =	vst v0  }
0x31: {  	[tilespmem:s18], [sflag:$0x3] =	stream.indirect.gather [hbm4b:s1+s16], $0x1, s17, s16, $0xb8;
	[tilespmem:$0x3800] =	vst v63  }
0x32: {  	_ =	swait.ge [sflag:s19], $0x400  }
0x33: {  	[sflag:s19] =	ssyncset.done $0x0  }
0x34: {  	s2 =	simm.s32 $0x400;
	[sflag:s19] =	ssyncadd.s32 $0xFFFFFC00  }
0x35: {  	v0 =	vld [tilespmem:s2+$0x0];
	_ =	sdelay $0x4  }
0x36: {  	s14 =	simm.s32 $0x0;
	v1 =	vshll.u32 v0, $0x3  }
0x37: {  	s0 =	sand.u32 $0x380, s14;
	v0 =	vand.u32 $0x7F, v0;
	v1 =	vand.u32 $0xFFFFFC00, v1  }
0x38: {  	s0 =	sor.u32 s5, s0;
	v0 =	vor.u32 v0, v1  }
0x39: {  	s30 =	simm.s32 $0x1C00;
	v0 =	vadd.s32 s0, v0  }
0x3a: {  	[tilespmem:s30+$0xFFFFF800] =	vst v0;
	v1 =	vadd.s32 $0x100000, v0  }
0x3b: {  	v0 =	vadd.s32 $0x200000, v0;
	[tilespmem:s30+$0xFFFFFC00] =	vst v1  }
0x3c: {  	s31 =	simm.s32 $0x410;
	[tilespmem:s30+$0x0] =	vst v0  }
0x3d: {  	s2 =	simm.s32 $0x20;
	s0 =	simm.s32 $0x10;
	v0 =	vld [tilespmem:s31+$0x0]  }
.LBB2_4:
0x3e: {  	p0 =	sne.s32 s2, $0x3F0;
	_ =	sdelay $0x3  }
0x3f: {  	v1 =	vshll.u32 v0, $0x3  }
0x40: {  	s14 =	sand.u32 $0x380, s0;
	s0 =	smov.u32 s2;
	v0 =	vand.u32 $0x7F, v0;
	v1 =	vand.u32 $0xFFFFFC00, v1  }
0x41: {  	s14 =	sor.u32 s5, s14;
	v0 =	vor.u32 v0, v1  }
.Ltmp1:
0x42: {  	s30 =	sadd.s32 $0x10, s30;
	v0 =	vadd.s32 s14, v0;
	(pc) =	sbr.rel @p0 .LBB2_4-.Ltmp1, $4  }
0x43: {  	[tilespmem:s30+$0xFFFFF800] =	vst v0;
	v1 =	vadd.s32 $0x100000, v0;
	v0 =	vadd.s32 $0x200000, v0  }
0x44: {  	[tilespmem:s30+$0xFFFFFC00] =	vst v1  }
0x45: {  	s31 =	sadd.s32 $0x10, s31;
	[tilespmem:s30+$0x0] =	vst v0  }
0x46: {  	s2 =	sadd.s32 $0x10, s2;
	v0 =	vld [tilespmem:s31+$0x0]  }
0x47: {  	_ =	sdelay $0x3  }
0x48: {  	v1 =	vshll.u32 v0, $0x3  }
0x49: {  	s0 =	sand.u32 $0x380, s0;
	v62 =	vand.u32 $0x7F, v0;
	v1 =	vand.u32 $0xFFFFFC00, v1  }
0x4a: {  	s0 =	sor.u32 s5, s0;
	v0 =	vor.u32 v62, v1  }
0x4b: {  	s31 =	sadd.s32 $0x10, s30;
	v0 =	vadd.s32 s0, v0  }
0x4c: {  	[tilespmem:s31+$0xFFFFF800] =	vst v0;
	v63 =	vadd.s32 $0x100000, v0  }
0x4d: {  	v0 =	vadd.s32 $0x200000, v0;
	[tilespmem:s31+$0xFFFFFC00] =	vst v63  }
0x4e: {  	[tilespmem:s31+$0x0] =	vst v0  }
0x4f: {  	[tilespmem:s21], [sflag:$0x4] =	stream.indirect.gather [hbm4b:s1+s16], $0x1, s20, s16, $0xb8;
	[tilespmem:$0x3800] =	vst v63  }
0x50: {  	_ =	swait.ge [sflag:s22], $0xC00  }
0x51: {  	[sflag:s22] =	ssyncset.done $0x0  }
0x52: {  	[sflag:s22] =	ssyncadd.s32 $0xFFFFF400  }
0x53: {  	[hbm4b:s7+s3] =	stream.linear.scatter [tilespmem:s18], [sflag:$0x1], $0x400, $0x38;
	[tilespmem:$0x3800] =	vst v63  }
0x54: {  	_ = 	snop  }
0x55: {  	[hbm4b:s8+s3] =	stream.linear.scatter [tilespmem:s23], [sflag:$0x1], $0x400, $0x38;
	[tilespmem:$0x3800] =	vst v63  }
0x56: {  	_ = 	snop  }
0x57: {  	[hbm4b:s9+s3] =	stream.linear.scatter [tilespmem:s24], [sflag:$0x1], $0x400, $0x38;
	[tilespmem:$0x3800] =	vst v63  }
0x58: {  	_ =	swait.ge [sflag:s25], $0xC00  }
0x59: {  	[sflag:s25] =	ssyncset.done $0x0  }
0x5a: {  	[sflag:s25] =	ssyncadd.s32 $0xFFFFF400  }
0x5b: {  	[hbm4b:s10+s3] =	stream.linear.scatter [tilespmem:s21], [sflag:$0x2], $0x400, $0x38;
	[tilespmem:$0x3800] =	vst v63  }
0x5c: {  	_ = 	snop  }
0x5d: {  	[hbm4b:s11+s3] =	stream.linear.scatter [tilespmem:s26], [sflag:$0x2], $0x400, $0x38;
	[tilespmem:$0x3800] =	vst v63  }
0x5e: {  	_ = 	snop  }
0x5f: {  	[hbm4b:s12+s3] =	stream.linear.scatter [tilespmem:s28], [sflag:$0x2], $0x400, $0x38;
	[tilespmem:$0x3800] =	vst v63  }
0x60: {  	_ =	swait.ge [sflag:s15], $0x400  }
0x61: {  	[sflag:s15] =	ssyncset.done $0x0  }
0x62: {  	[sflag:s15] =	ssyncadd.s32 $0xFFFFFC00  }
0x63: {  	_ =	swait.ge [sflag:s15], $0x400  }
0x64: {  	[sflag:s15] =	ssyncset.done $0x0  }
0x65: {  	[sflag:s15] =	ssyncadd.s32 $0xFFFFFC00  }
0x66: {  	_ =	swait.ge [sflag:s15], $0x400  }
0x67: {  	[sflag:s15] =	ssyncset.done $0x0  }
0x68: {  	[sflag:s15] =	ssyncadd.s32 $0xFFFFFC00  }
0x69: {  	_ =	swait.ge [sflag:s19], $0x400  }
0x6a: {  	[sflag:s19] =	ssyncset.done $0x0  }
0x6b: {  	s29 =	sadd.s32 $0x1, s29;
	[sflag:s19] =	ssyncadd.s32 $0xFFFFFC00  }
0x6c: {  	p0 =	sne.s32 s29, s13;
	_ =	swait.ge [sflag:s19], $0x400  }
.Ltmp2:
0x6d: {  	[sflag:s19] =	ssyncset.done $0x0;
	(pc) =	sbr.rel @p0 .LBB2_1-.Ltmp2, $4  }
0x6e: {  	[sflag:s19] =	ssyncadd.s32 $0xFFFFFC00  }
0x6f: {  	_ =	swait.ge [sflag:s19], $0x400  }
0x70: {  	[sflag:s19] =	ssyncset.done $0x0  }
0x71: {  	[sflag:s19] =	ssyncadd.s32 $0xFFFFFC00  }
0x72: {  	_ =	sfence.sel $0x180000  }
0x73: {  	[bflag:$0x0] =	sbarrier.arrive $0xFFFF  }
0x74: {  	_ =	strace $0x90000047  }
0x75: {  	s0 =	stileid.u32;
	[bflag:$0x2] =	sbarrier.arrive $0xFFFF  }
0x76: {  	p0 =	sne.s32 s0, $0x0;
	s0 =	rddreg [dreg:$0x3]  }
0x77: {  	s0 =	sadd.s32 @!p0 $0x100000, s0  }
0x78: {  	[sflag:s0] =	ssyncadd.tile.s32 @!p0 $0x1;
	_ =	shalt  }
.Lfunc_end2:
_tile_overlayer_lowered:
.L_overlay_start_2:
0x79: {  	(tag) =	ssettag $0x2  }
0x7a: {  	s0 =	rddreg [dreg:$0x0];
	s2 =	stileid.u32  }
0x7b: {  	s1 =	rddreg [dreg:$0x1];
	p0 =	sne.s32 s2, $0x0  }
0x7c: {  	s3 =	rddreg [dreg:$0x2];
	[bflag:$0x3] =	sbarrier.arrive $0xFFFF;
	s2 =	simm.s32 @!p0 $0x1C05  }
0x7d: {  	[timem:s3], [sflag:s2] =	dma.local @!p0 [hbm:s0], s1  }
0x7e: {  	s0 =	simm.s32 @!p0 $0x5  }
0x7f: {  	_ =	swait.ge @!p0 [sflag:s0], s1  }
0x80: {  	s1 =	ssub.s32 @!p0 $0x0, s1;
	[sflag:s0] =	ssyncset.done @!p0 $0x0  }
0x81: {  	[sflag:s0] =	ssyncadd.s32 @!p0 s1  }
0x82: {  	[bflag:$0x3] =	sbarrier.arrive $0xFFFF  }
0x83: {  	_ =	shalt  }

</sc_bundles>
